<compile_context>
chip_gen: v7x
topology: tpu7x:2x2x1
jax: 0.10.2.dev20260603
libtpu: 0.0.44.dev20260713+nightly
codegen_flags: <defaults>
</compile_context>

<pallas_src>
import functools

import jax
import jax.numpy as jnp
from jax import lax
from jax.experimental import pallas as pl
from jax.experimental.pallas import tpu as pltpu
from jax.experimental.pallas import tpu_sc as plsc

_B, _C = 16384, 1000
_K = 12288
_CHI, _IHI, _CLO, _ILO = 125, 128, 8, 128
_BI = 16
_NBLK = _IHI // _BI

_NC, _NS = 2, 16
_NW = _NC * _NS
_PER = _B // _NW

_INT_MIN = -2147483648


def _gather_body(flat_ref, idx_ref, out_ref, idx_v, vals_v, sem):
    wid = lax.axis_index("s") * _NC + lax.axis_index("c")
    base = wid * _PER
    pltpu.sync_copy(idx_ref.at[pl.ds(base, _PER)], idx_v)
    pltpu.async_copy(flat_ref.at[idx_v], vals_v, sem).wait()
    pltpu.sync_copy(vals_v, out_ref.at[pl.ds(base, _PER)])


def _sc_gather(flat, idx):
    mesh = plsc.VectorSubcoreMesh(core_axis_name="c", subcore_axis_name="s")
    run = functools.partial(
        pl.kernel,
        mesh=mesh,
        out_type=jax.ShapeDtypeStruct((_B,), jnp.float32),
        scratch_types=[
            pltpu.VMEM((_PER,), jnp.int32),
            pltpu.VMEM((_PER,), jnp.float32),
            pltpu.SemaphoreType.DMA,
        ],
    )(_gather_body)
    return run(flat, idx)


def _logz_body(x_ref, logz_ref):
    x = x_ref[...]
    m1 = jnp.max(x, axis=0)
    m = jnp.max(m1, axis=1)
    e = jnp.exp(x - m[None, :, None, :])
    s = jnp.sum(jnp.sum(e, axis=0), axis=1)
    logz_ref[...] = jnp.log(s) + m


def _topk_body(logz_ref, picked_ref, out_ref):
    x = logz_ref[...] - picked_ref[...]
    bits = jax.lax.bitcast_convert_type(x, jnp.int32)
    key = jnp.where(bits >= 0, bits, bits ^ jnp.int32(0x7FFFFFFF))

    def body(r, T):
        sh = jnp.int32(28) - 4 * r
        digit = jnp.int32(0)
        for j in range(1, 16):
            cand = T | jax.lax.shift_left(jnp.int32(j), sh)
            scand = cand ^ jnp.int32(_INT_MIN)
            cnt = jnp.sum((key >= scand).astype(jnp.int32))
            digit += (cnt >= _K).astype(jnp.int32)
        return T | jax.lax.shift_left(digit, sh)

    T = jax.lax.fori_loop(0, 8, body, jnp.int32(0))
    kth = T ^ jnp.int32(_INT_MIN)

    gt = key > kth
    cnt_gt = jnp.sum(gt.astype(jnp.int32))
    sum_gt = jnp.sum(jnp.where(gt, x, 0.0))
    tval = jnp.max(jnp.where(key == kth, x, -jnp.inf))
    res = (sum_gt + (_K - cnt_gt).astype(jnp.float32) * tval) / _K
    out_ref[...] = jnp.full((1, 1), res, jnp.float32)


def kernel(input, target):
    x4 = input.T.reshape(_CHI, _CLO, _IHI, _ILO).transpose(0, 2, 1, 3)
    flat = x4.reshape(-1)

    t = target.astype(jnp.int32)
    iar = jnp.arange(_B, dtype=jnp.int32)
    idx = ((t // _CLO) * _IHI + iar // _ILO) * (_CLO * _ILO) \
        + (t % _CLO) * _ILO + (iar % _ILO)
    picked = _sc_gather(flat, idx)

    logz = pl.pallas_call(
        _logz_body,
        grid=(_NBLK,),
        in_specs=[pl.BlockSpec((_CHI, _BI, _CLO, _ILO), lambda b: (0, b, 0, 0))],
        out_specs=pl.BlockSpec((_BI, _ILO), lambda b: (b, 0)),
        out_shape=jax.ShapeDtypeStruct((_IHI, _ILO), jnp.float32),
    )(x4)

    out = pl.pallas_call(
        _topk_body,
        out_shape=jax.ShapeDtypeStruct((1, 1), jnp.float32),
    )(logz, picked.reshape(_IHI, _ILO))
    return out[0, 0]

# --- scband reference (transcript-rebuilt; emitter-appended) ---
"""Pipeline reference for scband-topk-cross-entrophy-33913061769315 (READ-ONLY COPY).

The authoritative reference and input builder live on the scoring server;
editing this copy changes nothing except your own understanding.
"""

import jax, jax.numpy as jnp
import numpy as np

TOP_K = 0.75
B, C = 16384, 1000


def setup_inputs(seed: int = 0) -> dict:
    key = jax.random.key(seed)
    k1, k2 = jax.random.split(key)
    inp = jax.random.normal(k1, (B, C), dtype=jnp.float32)
    target = jax.random.randint(k2, (B,), 0, C, dtype=jnp.int32)
    return {"input": inp, "target": target}


def reference(input, target):
    # per-sample cross entropy: logsumexp(logits) - logits[i, target[i]]
    logz = jax.scipy.special.logsumexp(input, axis=1)
    picked = jnp.take_along_axis(input, target[:, None].astype(jnp.int32), axis=1)[:, 0]
    loss = logz - picked
    k = int(TOP_K * loss.shape[0])
    valid_loss, _ = jax.lax.top_k(loss, k)
    return jnp.mean(valid_loss)

if __name__ == "__main__":
    import jax
    _d = setup_inputs()
    print(jax.jit(kernel)(*tuple(_d.values())))

</pallas_src>

<mosaic_0001>
#map = affine_map<(d0, d1) -> (0)>
module attributes {stable_mosaic.version = 14 : i64} {
  func.func @_gather_body(%arg0: i32, %arg1: i32, %arg2: memref<16384000xf32, #tpu.memory_space<hbm>>, %arg3: memref<16384xi32, #tpu.memory_space<hbm>>, %arg4: memref<16384xf32, #tpu.memory_space<hbm>>, %arg5: memref<512xi32, #tpu.memory_space<vmem>>, %arg6: memref<512xf32, #tpu.memory_space<vmem>>, %arg7: memref<!tpu.dma_semaphore, #tpu.memory_space<semaphore_mem>>) attributes {dimension_semantics = [#tpu.dimension_semantics<core_parallel>, #tpu.dimension_semantics<subcore_parallel>], iteration_bounds = array<i64: 2, 16>, scalar_prefetch = 0 : i64, scratch_operands = 3 : i64, tpu.core_type = #tpu.core_type<sc_vector_subcore>, window_params = [{transform_indices = #map}, {transform_indices = #map}, {transform_indices = #map}]} {
    %mul3A = arith.constant 2 : i32
    %mul3A_0 = arith.muli %arg1, %mul3A : i32
    %add3A = arith.addi %mul3A_0, %arg0 : i32
    %mul3A_1 = arith.constant 512 : i32
    %mul3A_2 = arith.muli %add3A, %mul3A_1 : i32
    "tpu.region"() ({
      %run_scoped3A = tpu.sem_alloc : memref<!tpu.dma_semaphore, #tpu.memory_space<semaphore_mem>>
      %dma_start3A_5 = tpu.memref_slice %arg3[%mul3A_2] : memref<16384xi32, #tpu.memory_space<hbm>> -> memref<512xi32, #tpu.memory_space<hbm>>
      %dma_start3A_6 = tpu.memref_slice %arg3[%mul3A_2] : memref<16384xi32, #tpu.memory_space<hbm>> -> memref<512xi32, #tpu.memory_space<hbm>>
      tpu.enqueue_dma source(%dma_start3A_6 : memref<512xi32, #tpu.memory_space<hbm>>) target(%arg5 : memref<512xi32, #tpu.memory_space<vmem>>) target_semaphore(%run_scoped3A : memref<!tpu.dma_semaphore, #tpu.memory_space<semaphore_mem>>)
      %dma_wait3A_7 = tpu.memref_slice %arg3[%mul3A_2] : memref<16384xi32, #tpu.memory_space<hbm>> -> memref<512xi32, #tpu.memory_space<hbm>>
      %dma_wait3A_8 = tpu.memref_slice %arg3[%mul3A_2] : memref<16384xi32, #tpu.memory_space<hbm>> -> memref<512xi32, #tpu.memory_space<hbm>>
      tpu.wait_dma2 semaphore(%run_scoped3A : memref<!tpu.dma_semaphore, #tpu.memory_space<semaphore_mem>>) src(%dma_wait3A_8 : memref<512xi32, #tpu.memory_space<hbm>>) dst(%arg5 : memref<512xi32, #tpu.memory_space<vmem>>)
      tpu.yield
    }) : () -> ()
    %dma_start3A = arith.constant 0 : i32
    %dma_start3A_3 = tpu.memref_slice %arg2[%dma_start3A] : memref<16384000xf32, #tpu.memory_space<hbm>> -> memref<16384000xf32, #tpu.memory_space<hbm>>
    tpu.enqueue_indirect_dma source(%dma_start3A_3 : memref<16384000xf32, #tpu.memory_space<hbm>>) target(%arg6 : memref<512xf32, #tpu.memory_space<vmem>>) offsets(%arg5 : memref<512xi32, #tpu.memory_space<vmem>>) semaphore(%arg7 : memref<!tpu.dma_semaphore, #tpu.memory_space<semaphore_mem>>)
    %dma_wait3A = arith.constant 0 : i32
    %dma_wait3A_4 = tpu.memref_slice %arg2[%dma_wait3A] : memref<16384000xf32, #tpu.memory_space<hbm>> -> memref<16384000xf32, #tpu.memory_space<hbm>>
    tpu.wait_indirect_dma semaphore(%arg7 : memref<!tpu.dma_semaphore, #tpu.memory_space<semaphore_mem>>) src(%dma_wait3A_4 : memref<16384000xf32, #tpu.memory_space<hbm>>) dst(%arg6 : memref<512xf32, #tpu.memory_space<vmem>>)
    "tpu.region"() ({
      %run_scoped3A = tpu.sem_alloc : memref<!tpu.dma_semaphore, #tpu.memory_space<semaphore_mem>>
      %dma_start3A_5 = tpu.memref_slice %arg4[%mul3A_2] : memref<16384xf32, #tpu.memory_space<hbm>> -> memref<512xf32, #tpu.memory_space<hbm>>
      %dma_start3A_6 = tpu.memref_slice %arg4[%mul3A_2] : memref<16384xf32, #tpu.memory_space<hbm>> -> memref<512xf32, #tpu.memory_space<hbm>>
      tpu.enqueue_dma source(%arg6 : memref<512xf32, #tpu.memory_space<vmem>>) target(%dma_start3A_6 : memref<512xf32, #tpu.memory_space<hbm>>) target_semaphore(%run_scoped3A : memref<!tpu.dma_semaphore, #tpu.memory_space<semaphore_mem>>)
      %dma_wait3A_7 = tpu.memref_slice %arg4[%mul3A_2] : memref<16384xf32, #tpu.memory_space<hbm>> -> memref<512xf32, #tpu.memory_space<hbm>>
      %dma_wait3A_8 = tpu.memref_slice %arg4[%mul3A_2] : memref<16384xf32, #tpu.memory_space<hbm>> -> memref<512xf32, #tpu.memory_space<hbm>>
      tpu.wait_dma2 semaphore(%run_scoped3A : memref<!tpu.dma_semaphore, #tpu.memory_space<semaphore_mem>>) src(%arg6 : memref<512xf32, #tpu.memory_space<vmem>>) dst(%dma_wait3A_8 : memref<512xf32, #tpu.memory_space<hbm>>)
      tpu.yield
    }) : () -> ()
    return
  }
}

module attributes {stable_mosaic.version = 14 : i64} {
  func.func @_topk_body(%arg0: memref<128x128xf32, #tpu.memory_space<vmem>>, %arg1: memref<128x128xf32, #tpu.memory_space<vmem>>, %arg2: memref<1x1xf32, #tpu.memory_space<vmem>>) attributes {dimension_semantics = [], scalar_prefetch = 0 : i64, scratch_operands = 0 : i64, tpu.core_type = #tpu.core_type<tc>} {
    %get3A = arith.constant 0 : index
    %get3A_0 = arith.constant 0 : index
    %get3A_1 = vector.load %arg0[%get3A, %get3A_0] : memref<128x128xf32, #tpu.memory_space<vmem>>, vector<128x128xf32>
    %get3A_2 = arith.constant 0 : index
    %get3A_3 = arith.constant 0 : index
    %get3A_4 = vector.load %arg1[%get3A_2, %get3A_3] : memref<128x128xf32, #tpu.memory_space<vmem>>, vector<128x128xf32>
    %sub3A = arith.subf %get3A_1, %get3A_4 : vector<128x128xf32>
    %bitcast_convert_type3A = tpu.bitcast %sub3A : vector<128x128xf32> -> vector<128x128xi32>
    %ge3A = arith.constant 0 : i32
    %ge3A_5 = vector.broadcast %ge3A : i32 to vector<128x128xi32>
    %ge3A_6 = arith.cmpi sge, %bitcast_convert_type3A, %ge3A_5 : vector<128x128xi32>
    %xor3A = arith.constant 2147483647 : i32
    %xor3A_7 = vector.broadcast %xor3A : i32 to vector<128x128xi32>
    %xor3A_8 = arith.xori %bitcast_convert_type3A, %xor3A_7 : vector<128x128xi32>
    %select_n3A = arith.select %ge3A_6, %bitcast_convert_type3A, %xor3A_8 : vector<128x128xi1>, vector<128x128xi32>
    %scan3A = arith.constant 0 : i32
    %scan3A_9 = arith.constant 0 : i32
    %scan3A_10 = arith.constant 8 : i32
    %scan3A_11 = arith.addi %scan3A_9, %scan3A_10 : i32
    %scan3A_12 = arith.constant 1 : i32
    %scan3A_13 = scf.for %scan3A_43 = %scan3A_9 to %scan3A_11 step %scan3A_12 iter_args(%scan3A_44 = %scan3A) -> (i32)  : i32 {
      %mul3A_45 = arith.constant 4 : i32
      %mul3A_46 = arith.muli %mul3A_45, %scan3A_43 : i32
      %sub3A_47 = arith.constant 28 : i32
      %sub3A_48 = arith.subi %sub3A_47, %mul3A_46 : i32
      %shift_left3A = arith.constant 1 : i32
      %shift_left3A_49 = arith.shli %shift_left3A, %sub3A_48 : i32
      %or3A = arith.ori %scan3A_44, %shift_left3A_49 : i32
      %xor3A_50 = arith.constant -2147483648 : i32
      %xor3A_51 = arith.xori %or3A, %xor3A_50 : i32
      %ge3A_52 = vector.broadcast %xor3A_51 : i32 to vector<128x128xi32>
      %ge3A_53 = arith.cmpi sge, %select_n3A, %ge3A_52 : vector<128x128xi32>
      %convert_element_type3A_54 = arith.extui %ge3A_53 : vector<128x128xi1> to vector<128x128xi32>
      %reduce_sum3A_55 = vector.shape_cast %convert_element_type3A_54 : vector<128x128xi32> to vector<1x128x128xi32>
      %reduce_sum3A_56 = arith.constant dense<0> : vector<1xi32>
      %reduce_sum3A_57 = vector.multi_reduction <add>, %reduce_sum3A_55, %reduce_sum3A_56 [1, 2] : vector<1x128x128xi32> to vector<1xi32>
      %reduce_sum3A_58 = vector.shape_cast %reduce_sum3A_57 : vector<1xi32> to vector<1x1x1xi32>
      %reduce_sum3A_59 = vector.extract %reduce_sum3A_58[0, 0, 0] : i32 from vector<1x1x1xi32>
      %ge3A_60 = arith.constant 12288 : i32
      %ge3A_61 = arith.cmpi sge, %reduce_sum3A_59, %ge3A_60 : i32
      %convert_element_type3A_62 = arith.extui %ge3A_61 : i1 to i32
      %add3A_63 = arith.constant 0 : i32
      %add3A_64 = arith.addi %add3A_63, %convert_element_type3A_62 : i32
      %shift_left3A_65 = arith.constant 2 : i32
      %shift_left3A_66 = arith.shli %shift_left3A_65, %sub3A_48 : i32
      %or3A_67 = arith.ori %scan3A_44, %shift_left3A_66 : i32
      %xor3A_68 = arith.constant -2147483648 : i32
      %xor3A_69 = arith.xori %or3A_67, %xor3A_68 : i32
      %ge3A_70 = vector.broadcast %xor3A_69 : i32 to vector<128x128xi32>
      %ge3A_71 = arith.cmpi sge, %select_n3A, %ge3A_70 : vector<128x128xi32>
      %convert_element_type3A_72 = arith.extui %ge3A_71 : vector<128x128xi1> to vector<128x128xi32>
      %reduce_sum3A_73 = vector.shape_cast %convert_element_type3A_72 : vector<128x128xi32> to vector<1x128x128xi32>
      %reduce_sum3A_74 = arith.constant dense<0> : vector<1xi32>
      %reduce_sum3A_75 = vector.multi_reduction <add>, %reduce_sum3A_73, %reduce_sum3A_74 [1, 2] : vector<1x128x128xi32> to vector<1xi32>
      %reduce_sum3A_76 = vector.shape_cast %reduce_sum3A_75 : vector<1xi32> to vector<1x1x1xi32>
      %reduce_sum3A_77 = vector.extract %reduce_sum3A_76[0, 0, 0] : i32 from vector<1x1x1xi32>
      %ge3A_78 = arith.constant 12288 : i32
      %ge3A_79 = arith.cmpi sge, %reduce_sum3A_77, %ge3A_78 : i32
      %convert_element_type3A_80 = arith.extui %ge3A_79 : i1 to i32
      %add3A_81 = arith.addi %add3A_64, %convert_element_type3A_80 : i32
      %shift_left3A_82 = arith.constant 3 : i32
      %shift_left3A_83 = arith.shli %shift_left3A_82, %sub3A_48 : i32
      %or3A_84 = arith.ori %scan3A_44, %shift_left3A_83 : i32
      %xor3A_85 = arith.constant -2147483648 : i32
      %xor3A_86 = arith.xori %or3A_84, %xor3A_85 : i32
      %ge3A_87 = vector.broadcast %xor3A_86 : i32 to vector<128x128xi32>
      %ge3A_88 = arith.cmpi sge, %select_n3A, %ge3A_87 : vector<128x128xi32>
      %convert_element_type3A_89 = arith.extui %ge3A_88 : vector<128x128xi1> to vector<128x128xi32>
      %reduce_sum3A_90 = vector.shape_cast %convert_element_type3A_89 : vector<128x128xi32> to vector<1x128x128xi32>
      %reduce_sum3A_91 = arith.constant dense<0> : vector<1xi32>
      %reduce_sum3A_92 = vector.multi_reduction <add>, %reduce_sum3A_90, %reduce_sum3A_91 [1, 2] : vector<1x128x128xi32> to vector<1xi32>
      %reduce_sum3A_93 = vector.shape_cast %reduce_sum3A_92 : vector<1xi32> to vector<1x1x1xi32>
      %reduce_sum3A_94 = vector.extract %reduce_sum3A_93[0, 0, 0] : i32 from vector<1x1x1xi32>
      %ge3A_95 = arith.constant 12288 : i32
      %ge3A_96 = arith.cmpi sge, %reduce_sum3A_94, %ge3A_95 : i32
      %convert_element_type3A_97 = arith.extui %ge3A_96 : i1 to i32
      %add3A_98 = arith.addi %add3A_81, %convert_element_type3A_97 : i32
      %shift_left3A_99 = arith.constant 4 : i32
      %shift_left3A_100 = arith.shli %shift_left3A_99, %sub3A_48 : i32
      %or3A_101 = arith.ori %scan3A_44, %shift_left3A_100 : i32
      %xor3A_102 = arith.constant -2147483648 : i32
      %xor3A_103 = arith.xori %or3A_101, %xor3A_102 : i32
      %ge3A_104 = vector.broadcast %xor3A_103 : i32 to vector<128x128xi32>
      %ge3A_105 = arith.cmpi sge, %select_n3A, %ge3A_104 : vector<128x128xi32>
      %convert_element_type3A_106 = arith.extui %ge3A_105 : vector<128x128xi1> to vector<128x128xi32>
      %reduce_sum3A_107 = vector.shape_cast %convert_element_type3A_106 : vector<128x128xi32> to vector<1x128x128xi32>
      %reduce_sum3A_108 = arith.constant dense<0> : vector<1xi32>
      %reduce_sum3A_109 = vector.multi_reduction <add>, %reduce_sum3A_107, %reduce_sum3A_108 [1, 2] : vector<1x128x128xi32> to vector<1xi32>
      %reduce_sum3A_110 = vector.shape_cast %reduce_sum3A_109 : vector<1xi32> to vector<1x1x1xi32>
      %reduce_sum3A_111 = vector.extract %reduce_sum3A_110[0, 0, 0] : i32 from vector<1x1x1xi32>
      %ge3A_112 = arith.constant 12288 : i32
      %ge3A_113 = arith.cmpi sge, %reduce_sum3A_111, %ge3A_112 : i32
      %convert_element_type3A_114 = arith.extui %ge3A_113 : i1 to i32
      %add3A_115 = arith.addi %add3A_98, %convert_element_type3A_114 : i32
      %shift_left3A_116 = arith.constant 5 : i32
      %shift_left3A_117 = arith.shli %shift_left3A_116, %sub3A_48 : i32
      %or3A_118 = arith.ori %scan3A_44, %shift_left3A_117 : i32
      %xor3A_119 = arith.constant -2147483648 : i32
      %xor3A_120 = arith.xori %or3A_118, %xor3A_119 : i32
      %ge3A_121 = vector.broadcast %xor3A_120 : i32 to vector<128x128xi32>
      %ge3A_122 = arith.cmpi sge, %select_n3A, %ge3A_121 : vector<128x128xi32>
      %convert_element_type3A_123 = arith.extui %ge3A_122 : vector<128x128xi1> to vector<128x128xi32>
      %reduce_sum3A_124 = vector.shape_cast %convert_element_type3A_123 : vector<128x128xi32> to vector<1x128x128xi32>
      %reduce_sum3A_125 = arith.constant dense<0> : vector<1xi32>
      %reduce_sum3A_126 = vector.multi_reduction <add>, %reduce_sum3A_124, %reduce_sum3A_125 [1, 2] : vector<1x128x128xi32> to vector<1xi32>
      %reduce_sum3A_127 = vector.shape_cast %reduce_sum3A_126 : vector<1xi32> to vector<1x1x1xi32>
      %reduce_sum3A_128 = vector.extract %reduce_sum3A_127[0, 0, 0] : i32 from vector<1x1x1xi32>
      %ge3A_129 = arith.constant 12288 : i32
      %ge3A_130 = arith.cmpi sge, %reduce_sum3A_128, %ge3A_129 : i32
      %convert_element_type3A_131 = arith.extui %ge3A_130 : i1 to i32
      %add3A_132 = arith.addi %add3A_115, %convert_element_type3A_131 : i32
      %shift_left3A_133 = arith.constant 6 : i32
      %shift_left3A_134 = arith.shli %shift_left3A_133, %sub3A_48 : i32
      %or3A_135 = arith.ori %scan3A_44, %shift_left3A_134 : i32
      %xor3A_136 = arith.constant -2147483648 : i32
      %xor3A_137 = arith.xori %or3A_135, %xor3A_136 : i32
      %ge3A_138 = vector.broadcast %xor3A_137 : i32 to vector<128x128xi32>
      %ge3A_139 = arith.cmpi sge, %select_n3A, %ge3A_138 : vector<128x128xi32>
      %convert_element_type3A_140 = arith.extui %ge3A_139 : vector<128x128xi1> to vector<128x128xi32>
      %reduce_sum3A_141 = vector.shape_cast %convert_element_type3A_140 : vector<128x128xi32> to vector<1x128x128xi32>
      %reduce_sum3A_142 = arith.constant dense<0> : vector<1xi32>
      %reduce_sum3A_143 = vector.multi_reduction <add>, %reduce_sum3A_141, %reduce_sum3A_142 [1, 2] : vector<1x128x128xi32> to vector<1xi32>
      %reduce_sum3A_144 = vector.shape_cast %reduce_sum3A_143 : vector<1xi32> to vector<1x1x1xi32>
      %reduce_sum3A_145 = vector.extract %reduce_sum3A_144[0, 0, 0] : i32 from vector<1x1x1xi32>
      %ge3A_146 = arith.constant 12288 : i32
      %ge3A_147 = arith.cmpi sge, %reduce_sum3A_145, %ge3A_146 : i32
      %convert_element_type3A_148 = arith.extui %ge3A_147 : i1 to i32
      %add3A_149 = arith.addi %add3A_132, %convert_element_type3A_148 : i32
      %shift_left3A_150 = arith.constant 7 : i32
      %shift_left3A_151 = arith.shli %shift_left3A_150, %sub3A_48 : i32
      %or3A_152 = arith.ori %scan3A_44, %shift_left3A_151 : i32
      %xor3A_153 = arith.constant -2147483648 : i32
      %xor3A_154 = arith.xori %or3A_152, %xor3A_153 : i32
      %ge3A_155 = vector.broadcast %xor3A_154 : i32 to vector<128x128xi32>
      %ge3A_156 = arith.cmpi sge, %select_n3A, %ge3A_155 : vector<128x128xi32>
      %convert_element_type3A_157 = arith.extui %ge3A_156 : vector<128x128xi1> to vector<128x128xi32>
      %reduce_sum3A_158 = vector.shape_cast %convert_element_type3A_157 : vector<128x128xi32> to vector<1x128x128xi32>
      %reduce_sum3A_159 = arith.constant dense<0> : vector<1xi32>
      %reduce_sum3A_160 = vector.multi_reduction <add>, %reduce_sum3A_158, %reduce_sum3A_159 [1, 2] : vector<1x128x128xi32> to vector<1xi32>
      %reduce_sum3A_161 = vector.shape_cast %reduce_sum3A_160 : vector<1xi32> to vector<1x1x1xi32>
      %reduce_sum3A_162 = vector.extract %reduce_sum3A_161[0, 0, 0] : i32 from vector<1x1x1xi32>
      %ge3A_163 = arith.constant 12288 : i32
      %ge3A_164 = arith.cmpi sge, %reduce_sum3A_162, %ge3A_163 : i32
      %convert_element_type3A_165 = arith.extui %ge3A_164 : i1 to i32
      %add3A_166 = arith.addi %add3A_149, %convert_element_type3A_165 : i32
      %shift_left3A_167 = arith.constant 8 : i32
      %shift_left3A_168 = arith.shli %shift_left3A_167, %sub3A_48 : i32
      %or3A_169 = arith.ori %scan3A_44, %shift_left3A_168 : i32
      %xor3A_170 = arith.constant -2147483648 : i32
      %xor3A_171 = arith.xori %or3A_169, %xor3A_170 : i32
      %ge3A_172 = vector.broadcast %xor3A_171 : i32 to vector<128x128xi32>
      %ge3A_173 = arith.cmpi sge, %select_n3A, %ge3A_172 : vector<128x128xi32>
      %convert_element_type3A_174 = arith.extui %ge3A_173 : vector<128x128xi1> to vector<128x128xi32>
      %reduce_sum3A_175 = vector.shape_cast %convert_element_type3A_174 : vector<128x128xi32> to vector<1x128x128xi32>
      %reduce_sum3A_176 = arith.constant dense<0> : vector<1xi32>
      %reduce_sum3A_177 = vector.multi_reduction <add>, %reduce_sum3A_175, %reduce_sum3A_176 [1, 2] : vector<1x128x128xi32> to vector<1xi32>
      %reduce_sum3A_178 = vector.shape_cast %reduce_sum3A_177 : vector<1xi32> to vector<1x1x1xi32>
      %reduce_sum3A_179 = vector.extract %reduce_sum3A_178[0, 0, 0] : i32 from vector<1x1x1xi32>
      %ge3A_180 = arith.constant 12288 : i32
      %ge3A_181 = arith.cmpi sge, %reduce_sum3A_179, %ge3A_180 : i32
      %convert_element_type3A_182 = arith.extui %ge3A_181 : i1 to i32
      %add3A_183 = arith.addi %add3A_166, %convert_element_type3A_182 : i32
      %shift_left3A_184 = arith.constant 9 : i32
      %shift_left3A_185 = arith.shli %shift_left3A_184, %sub3A_48 : i32
      %or3A_186 = arith.ori %scan3A_44, %shift_left3A_185 : i32
      %xor3A_187 = arith.constant -2147483648 : i32
      %xor3A_188 = arith.xori %or3A_186, %xor3A_187 : i32
      %ge3A_189 = vector.broadcast %xor3A_188 : i32 to vector<128x128xi32>
      %ge3A_190 = arith.cmpi sge, %select_n3A, %ge3A_189 : vector<128x128xi32>
      %convert_element_type3A_191 = arith.extui %ge3A_190 : vector<128x128xi1> to vector<128x128xi32>
      %reduce_sum3A_192 = vector.shape_cast %convert_element_type3A_191 : vector<128x128xi32> to vector<1x128x128xi32>
      %reduce_sum3A_193 = arith.constant dense<0> : vector<1xi32>
      %reduce_sum3A_194 = vector.multi_reduction <add>, %reduce_sum3A_192, %reduce_sum3A_193 [1, 2] : vector<1x128x128xi32> to vector<1xi32>
      %reduce_sum3A_195 = vector.shape_cast %reduce_sum3A_194 : vector<1xi32> to vector<1x1x1xi32>
      %reduce_sum3A_196 = vector.extract %reduce_sum3A_195[0, 0, 0] : i32 from vector<1x1x1xi32>
      %ge3A_197 = arith.constant 12288 : i32
      %ge3A_198 = arith.cmpi sge, %reduce_sum3A_196, %ge3A_197 : i32
      %convert_element_type3A_199 = arith.extui %ge3A_198 : i1 to i32
      %add3A_200 = arith.addi %add3A_183, %convert_element_type3A_199 : i32
      %shift_left3A_201 = arith.constant 10 : i32
      %shift_left3A_202 = arith.shli %shift_left3A_201, %sub3A_48 : i32
      %or3A_203 = arith.ori %scan3A_44, %shift_left3A_202 : i32
      %xor3A_204 = arith.constant -2147483648 : i32
      %xor3A_205 = arith.xori %or3A_203, %xor3A_204 : i32
      %ge3A_206 = vector.broadcast %xor3A_205 : i32 to vector<128x128xi32>
      %ge3A_207 = arith.cmpi sge, %select_n3A, %ge3A_206 : vector<128x128xi32>
      %convert_element_type3A_208 = arith.extui %ge3A_207 : vector<128x128xi1> to vector<128x128xi32>
      %reduce_sum3A_209 = vector.shape_cast %convert_element_type3A_208 : vector<128x128xi32> to vector<1x128x128xi32>
      %reduce_sum3A_210 = arith.constant dense<0> : vector<1xi32>
      %reduce_sum3A_211 = vector.multi_reduction <add>, %reduce_sum3A_209, %reduce_sum3A_210 [1, 2] : vector<1x128x128xi32> to vector<1xi32>
      %reduce_sum3A_212 = vector.shape_cast %reduce_sum3A_211 : vector<1xi32> to vector<1x1x1xi32>
      %reduce_sum3A_213 = vector.extract %reduce_sum3A_212[0, 0, 0] : i32 from vector<1x1x1xi32>
      %ge3A_214 = arith.constant 12288 : i32
      %ge3A_215 = arith.cmpi sge, %reduce_sum3A_213, %ge3A_214 : i32
      %convert_element_type3A_216 = arith.extui %ge3A_215 : i1 to i32
      %add3A_217 = arith.addi %add3A_200, %convert_element_type3A_216 : i32
      %shift_left3A_218 = arith.constant 11 : i32
      %shift_left3A_219 = arith.shli %shift_left3A_218, %sub3A_48 : i32
      %or3A_220 = arith.ori %scan3A_44, %shift_left3A_219 : i32
      %xor3A_221 = arith.constant -2147483648 : i32
      %xor3A_222 = arith.xori %or3A_220, %xor3A_221 : i32
      %ge3A_223 = vector.broadcast %xor3A_222 : i32 to vector<128x128xi32>
      %ge3A_224 = arith.cmpi sge, %select_n3A, %ge3A_223 : vector<128x128xi32>
      %convert_element_type3A_225 = arith.extui %ge3A_224 : vector<128x128xi1> to vector<128x128xi32>
      %reduce_sum3A_226 = vector.shape_cast %convert_element_type3A_225 : vector<128x128xi32> to vector<1x128x128xi32>
      %reduce_sum3A_227 = arith.constant dense<0> : vector<1xi32>
      %reduce_sum3A_228 = vector.multi_reduction <add>, %reduce_sum3A_226, %reduce_sum3A_227 [1, 2] : vector<1x128x128xi32> to vector<1xi32>
      %reduce_sum3A_229 = vector.shape_cast %reduce_sum3A_228 : vector<1xi32> to vector<1x1x1xi32>
      %reduce_sum3A_230 = vector.extract %reduce_sum3A_229[0, 0, 0] : i32 from vector<1x1x1xi32>
      %ge3A_231 = arith.constant 12288 : i32
      %ge3A_232 = arith.cmpi sge, %reduce_sum3A_230, %ge3A_231 : i32
      %convert_element_type3A_233 = arith.extui %ge3A_232 : i1 to i32
      %add3A_234 = arith.addi %add3A_217, %convert_element_type3A_233 : i32
      %shift_left3A_235 = arith.constant 12 : i32
      %shift_left3A_236 = arith.shli %shift_left3A_235, %sub3A_48 : i32
      %or3A_237 = arith.ori %scan3A_44, %shift_left3A_236 : i32
      %xor3A_238 = arith.constant -2147483648 : i32
      %xor3A_239 = arith.xori %or3A_237, %xor3A_238 : i32
      %ge3A_240 = vector.broadcast %xor3A_239 : i32 to vector<128x128xi32>
      %ge3A_241 = arith.cmpi sge, %select_n3A, %ge3A_240 : vector<128x128xi32>
      %convert_element_type3A_242 = arith.extui %ge3A_241 : vector<128x128xi1> to vector<128x128xi32>
      %reduce_sum3A_243 = vector.shape_cast %convert_element_type3A_242 : vector<128x128xi32> to vector<1x128x128xi32>
      %reduce_sum3A_244 = arith.constant dense<0> : vector<1xi32>
      %reduce_sum3A_245 = vector.multi_reduction <add>, %reduce_sum3A_243, %reduce_sum3A_244 [1, 2] : vector<1x128x128xi32> to vector<1xi32>
      %reduce_sum3A_246 = vector.shape_cast %reduce_sum3A_245 : vector<1xi32> to vector<1x1x1xi32>
      %reduce_sum3A_247 = vector.extract %reduce_sum3A_246[0, 0, 0] : i32 from vector<1x1x1xi32>
      %ge3A_248 = arith.constant 12288 : i32
      %ge3A_249 = arith.cmpi sge, %reduce_sum3A_247, %ge3A_248 : i32
      %convert_element_type3A_250 = arith.extui %ge3A_249 : i1 to i32
      %add3A_251 = arith.addi %add3A_234, %convert_element_type3A_250 : i32
      %shift_left3A_252 = arith.constant 13 : i32
      %shift_left3A_253 = arith.shli %shift_left3A_252, %sub3A_48 : i32
      %or3A_254 = arith.ori %scan3A_44, %shift_left3A_253 : i32
      %xor3A_255 = arith.constant -2147483648 : i32
      %xor3A_256 = arith.xori %or3A_254, %xor3A_255 : i32
      %ge3A_257 = vector.broadcast %xor3A_256 : i32 to vector<128x128xi32>
      %ge3A_258 = arith.cmpi sge, %select_n3A, %ge3A_257 : vector<128x128xi32>
      %convert_element_type3A_259 = arith.extui %ge3A_258 : vector<128x128xi1> to vector<128x128xi32>
      %reduce_sum3A_260 = vector.shape_cast %convert_element_type3A_259 : vector<128x128xi32> to vector<1x128x128xi32>
      %reduce_sum3A_261 = arith.constant dense<0> : vector<1xi32>
      %reduce_sum3A_262 = vector.multi_reduction <add>, %reduce_sum3A_260, %reduce_sum3A_261 [1, 2] : vector<1x128x128xi32> to vector<1xi32>
      %reduce_sum3A_263 = vector.shape_cast %reduce_sum3A_262 : vector<1xi32> to vector<1x1x1xi32>
      %reduce_sum3A_264 = vector.extract %reduce_sum3A_263[0, 0, 0] : i32 from vector<1x1x1xi32>
      %ge3A_265 = arith.constant 12288 : i32
      %ge3A_266 = arith.cmpi sge, %reduce_sum3A_264, %ge3A_265 : i32
      %convert_element_type3A_267 = arith.extui %ge3A_266 : i1 to i32
      %add3A_268 = arith.addi %add3A_251, %convert_element_type3A_267 : i32
      %shift_left3A_269 = arith.constant 14 : i32
      %shift_left3A_270 = arith.shli %shift_left3A_269, %sub3A_48 : i32
      %or3A_271 = arith.ori %scan3A_44, %shift_left3A_270 : i32
      %xor3A_272 = arith.constant -2147483648 : i32
      %xor3A_273 = arith.xori %or3A_271, %xor3A_272 : i32
      %ge3A_274 = vector.broadcast %xor3A_273 : i32 to vector<128x128xi32>
      %ge3A_275 = arith.cmpi sge, %select_n3A, %ge3A_274 : vector<128x128xi32>
      %convert_element_type3A_276 = arith.extui %ge3A_275 : vector<128x128xi1> to vector<128x128xi32>
      %reduce_sum3A_277 = vector.shape_cast %convert_element_type3A_276 : vector<128x128xi32> to vector<1x128x128xi32>
      %reduce_sum3A_278 = arith.constant dense<0> : vector<1xi32>
      %reduce_sum3A_279 = vector.multi_reduction <add>, %reduce_sum3A_277, %reduce_sum3A_278 [1, 2] : vector<1x128x128xi32> to vector<1xi32>
      %reduce_sum3A_280 = vector.shape_cast %reduce_sum3A_279 : vector<1xi32> to vector<1x1x1xi32>
      %reduce_sum3A_281 = vector.extract %reduce_sum3A_280[0, 0, 0] : i32 from vector<1x1x1xi32>
      %ge3A_282 = arith.constant 12288 : i32
      %ge3A_283 = arith.cmpi sge, %reduce_sum3A_281, %ge3A_282 : i32
      %convert_element_type3A_284 = arith.extui %ge3A_283 : i1 to i32
      %add3A_285 = arith.addi %add3A_268, %convert_element_type3A_284 : i32
      %shift_left3A_286 = arith.constant 15 : i32
      %shift_left3A_287 = arith.shli %shift_left3A_286, %sub3A_48 : i32
      %or3A_288 = arith.ori %scan3A_44, %shift_left3A_287 : i32
      %xor3A_289 = arith.constant -2147483648 : i32
      %xor3A_290 = arith.xori %or3A_288, %xor3A_289 : i32
      %ge3A_291 = vector.broadcast %xor3A_290 : i32 to vector<128x128xi32>
      %ge3A_292 = arith.cmpi sge, %select_n3A, %ge3A_291 : vector<128x128xi32>
      %convert_element_type3A_293 = arith.extui %ge3A_292 : vector<128x128xi1> to vector<128x128xi32>
      %reduce_sum3A_294 = vector.shape_cast %convert_element_type3A_293 : vector<128x128xi32> to vector<1x128x128xi32>
      %reduce_sum3A_295 = arith.constant dense<0> : vector<1xi32>
      %reduce_sum3A_296 = vector.multi_reduction <add>, %reduce_sum3A_294, %reduce_sum3A_295 [1, 2] : vector<1x128x128xi32> to vector<1xi32>
      %reduce_sum3A_297 = vector.shape_cast %reduce_sum3A_296 : vector<1xi32> to vector<1x1x1xi32>
      %reduce_sum3A_298 = vector.extract %reduce_sum3A_297[0, 0, 0] : i32 from vector<1x1x1xi32>
      %ge3A_299 = arith.constant 12288 : i32
      %ge3A_300 = arith.cmpi sge, %reduce_sum3A_298, %ge3A_299 : i32
      %convert_element_type3A_301 = arith.extui %ge3A_300 : i1 to i32
      %add3A_302 = arith.addi %add3A_285, %convert_element_type3A_301 : i32
      %shift_left3A_303 = arith.shli %add3A_302, %sub3A_48 : i32
      %or3A_304 = arith.ori %scan3A_44, %shift_left3A_303 : i32
      scf.yield %or3A_304 : i32
    }
    %scan3A_14 = arith.constant 8 : i32
    %xor3A_15 = arith.constant -2147483648 : i32
    %xor3A_16 = arith.xori %scan3A_13, %xor3A_15 : i32
    %gt3A = vector.broadcast %xor3A_16 : i32 to vector<128x128xi32>
    %gt3A_17 = arith.cmpi sgt, %select_n3A, %gt3A : vector<128x128xi32>
    %convert_element_type3A = arith.extui %gt3A_17 : vector<128x128xi1> to vector<128x128xi32>
    %reduce_sum3A = vector.shape_cast %convert_element_type3A : vector<128x128xi32> to vector<1x128x128xi32>
    %reduce_sum3A_18 = arith.constant dense<0> : vector<1xi32>
    %reduce_sum3A_19 = vector.multi_reduction <add>, %reduce_sum3A, %reduce_sum3A_18 [1, 2] : vector<1x128x128xi32> to vector<1xi32>
    %reduce_sum3A_20 = vector.shape_cast %reduce_sum3A_19 : vector<1xi32> to vector<1x1x1xi32>
    %reduce_sum3A_21 = vector.extract %reduce_sum3A_20[0, 0, 0] : i32 from vector<1x1x1xi32>
    %jit3A = arith.constant 0.000000e+00 : f32
    %broadcast_in_dim3A = vector.broadcast %jit3A : f32 to vector<128x128xf32>
    %select_n3A_22 = arith.select %gt3A_17, %sub3A, %broadcast_in_dim3A : vector<128x128xi1>, vector<128x128xf32>
    %reduce_sum3A_23 = vector.shape_cast %select_n3A_22 : vector<128x128xf32> to vector<1x128x128xf32>
    %reduce_sum3A_24 = arith.constant dense<0.000000e+00> : vector<1xf32>
    %reduce_sum3A_25 = vector.multi_reduction <add>, %reduce_sum3A_23, %reduce_sum3A_24 [1, 2] : vector<1x128x128xf32> to vector<1xf32>
    %reduce_sum3A_26 = vector.shape_cast %reduce_sum3A_25 : vector<1xf32> to vector<1x1x1xf32>
    %reduce_sum3A_27 = vector.extract %reduce_sum3A_26[0, 0, 0] : f32 from vector<1x1x1xf32>
    %eq3A = vector.broadcast %xor3A_16 : i32 to vector<128x128xi32>
    %eq3A_28 = arith.cmpi eq, %select_n3A, %eq3A : vector<128x128xi32>
    %jit3A_29 = arith.constant 0xFF800000 : f32
    %broadcast_in_dim3A_30 = vector.broadcast %jit3A_29 : f32 to vector<128x128xf32>
    %select_n3A_31 = arith.select %eq3A_28, %sub3A, %broadcast_in_dim3A_30 : vector<128x128xi1>, vector<128x128xf32>
    %reduce_max3A = vector.shape_cast %select_n3A_31 : vector<128x128xf32> to vector<1x128x128xf32>
    %reduce_max3A_32 = arith.constant dense<0xFF800000> : vector<1xf32>
    %reduce_max3A_33 = vector.multi_reduction <maximumf>, %reduce_max3A, %reduce_max3A_32 [1, 2] : vector<1x128x128xf32> to vector<1xf32>
    %reduce_max3A_34 = vector.shape_cast %reduce_max3A_33 : vector<1xf32> to vector<1x1x1xf32>
    %reduce_max3A_35 = vector.extract %reduce_max3A_34[0, 0, 0] : f32 from vector<1x1x1xf32>
    %sub3A_36 = arith.constant 12288 : i32
    %sub3A_37 = arith.subi %sub3A_36, %reduce_sum3A_21 : i32
    %convert_element_type3A_38 = arith.sitofp %sub3A_37 : i32 to f32
    %mul3A = arith.mulf %convert_element_type3A_38, %reduce_max3A_35 : f32
    %add3A = arith.addf %reduce_sum3A_27, %mul3A : f32
    %div3A = arith.constant 1.228800e+04 : f32
    %div3A_39 = arith.divf %add3A, %div3A : f32
    %broadcast_in_dim3A_40 = vector.broadcast %div3A_39 : f32 to vector<1x1xf32>
    %swap3A = arith.constant 0 : index
    %swap3A_41 = arith.constant 0 : index
    %swap3A_42 = vector.load %arg2[%swap3A, %swap3A_41] : memref<1x1xf32, #tpu.memory_space<vmem>>, vector<1x1xf32>
    tpu.vector_store %arg2[%swap3A, %swap3A_41], %broadcast_in_dim3A_40 {strides = array<i32>} : memref<1x1xf32, #tpu.memory_space<vmem>>, vector<1x1xf32>,
    return
  }
}

module attributes {stable_mosaic.version = 14 : i64} {
  func.func @_logz_body(%arg0: i32, %arg1: memref<125x16x8x128xf32, #tpu.memory_space<vmem>>, %arg2: memref<16x128xf32, #tpu.memory_space<vmem>>) attributes {dimension_semantics = [#tpu.dimension_semantics<arbitrary>], iteration_bounds = array<i64: 8>, scalar_prefetch = 0 : i64, scratch_operands = 0 : i64, tpu.core_type = #tpu.core_type<tc>, window_params = [{transform_indices = @transform_0, window_bounds = array<i64: 125, 16, 8, 128>}, {transform_indices = @transform_1, window_bounds = array<i64: 16, 128>}]} {
    %get3A = arith.constant 0 : index
    %get3A_0 = arith.constant 0 : index
    %get3A_1 = arith.constant 0 : index
    %get3A_2 = arith.constant 0 : index
    %get3A_3 = vector.load %arg1[%get3A, %get3A_0, %get3A_1, %get3A_2] : memref<125x16x8x128xf32, #tpu.memory_space<vmem>>, vector<125x16x8x128xf32>
    %reduce_max3A = arith.constant dense<0xFF800000> : vector<16x8x128xf32>
    %reduce_max3A_4 = vector.multi_reduction <maximumf>, %get3A_3, %reduce_max3A [0] : vector<125x16x8x128xf32> to vector<16x8x128xf32>
    %reduce_max3A_5 = arith.constant dense<0xFF800000> : vector<16x128xf32>
    %reduce_max3A_6 = vector.multi_reduction <maximumf>, %reduce_max3A_4, %reduce_max3A_5 [1] : vector<16x8x128xf32> to vector<16x128xf32>
    %broadcast_in_dim3A = vector.shape_cast %reduce_max3A_6 : vector<16x128xf32> to vector<1x16x1x128xf32>
    %sub3A = vector.broadcast %broadcast_in_dim3A : vector<1x16x1x128xf32> to vector<125x16x8x128xf32>
    %sub3A_7 = arith.subf %get3A_3, %sub3A : vector<125x16x8x128xf32>
    %exp3A = math.exp %sub3A_7 : vector<125x16x8x128xf32>
    %reduce_sum3A = arith.constant dense<0.000000e+00> : vector<16x8x128xf32>
    %reduce_sum3A_8 = vector.multi_reduction <add>, %exp3A, %reduce_sum3A [0] : vector<125x16x8x128xf32> to vector<16x8x128xf32>
    %reduce_sum3A_9 = arith.constant dense<0.000000e+00> : vector<16x128xf32>
    %reduce_sum3A_10 = vector.multi_reduction <add>, %reduce_sum3A_8, %reduce_sum3A_9 [1] : vector<16x8x128xf32> to vector<16x128xf32>
    %log3A = math.log %reduce_sum3A_10 : vector<16x128xf32>
    %add3A = arith.addf %log3A, %reduce_max3A_6 : vector<16x128xf32>
    %swap3A = arith.constant 0 : index
    %swap3A_11 = arith.constant 0 : index
    %swap3A_12 = vector.load %arg2[%swap3A, %swap3A_11] : memref<16x128xf32, #tpu.memory_space<vmem>>, vector<16x128xf32>
    tpu.vector_store %arg2[%swap3A, %swap3A_11], %add3A {strides = array<i32>} : memref<16x128xf32, #tpu.memory_space<vmem>>, vector<16x128xf32>,
    return
  }
  func.func @transform_0(%arg0: i32) -> (i32, i32, i32, i32) {
    %c0_i32 = arith.constant 0 : i32
    %c0_i32_0 = arith.constant 0 : i32
    %c0_i32_1 = arith.constant 0 : i32
    %c0_i32_2 = arith.constant 0 : i32
    return %c0_i32, %arg0, %c0_i32_0, %c0_i32_1 : i32, i32, i32, i32
  }
  func.func @transform_1(%arg0: i32) -> (i32, i32) {
    %c0_i32 = arith.constant 0 : i32
    %c0_i32_0 = arith.constant 0 : i32
    return %arg0, %c0_i32 : i32, i32
  }
}

</mosaic_0001>

<sc_bundles>
// kernel: kernel.5.cloned.1.call-start
scs
__scs_entry_jumppad:
0x0: {  	(pc) =	sbr.rel $0x88, $3  }
0x1: {  	(tag) =	ssettag $0x0;
	lr =	simm.s32 $0x1  }
0x2: {  	[smem:$0x3F9F] =	sst lr;
	_ =	strace $0xD0000000  }
0x3: {  	_ = 	snop  }
0x4: {  	_ = 	snop  }
0x5: {  	_ = 	snop  }
0x6: {  	_ = 	snop  }
0x7: {  	_ = 	snop  }
__scs_overlays_trampoline_lowered:
0x8: {  	[smem:$0x3FAE] =	sst s0  }
0x9: {  	[smem:$0x3FAF] =	sst s1  }
0xa: {  	[smem:$0x3FB0] =	sst s2  }
0xb: {  	[smem:$0x3FB1] =	sst s3  }
0xc: {  	[smem:$0x3FB2] =	sst s4  }
0xd: {  	[smem:$0x3FB3] =	sst s5  }
0xe: {  	[smem:$0x3FB4] =	sst s6  }
0xf: {  	[smem:$0x3FB5] =	sst s7  }
0x10: {  	[smem:$0x3FB6] =	sst s8  }
0x11: {  	[smem:$0x3FB7] =	sst s9;
	s0 =	simm.s32 @!p0 $0x0  }
0x12: {  	s1 =	sld [smem:$0x3F9D];
	s0 =	simm.s32 @p0 $0x1  }
0x13: {  	[smem:$0x3FB8] =	sst s0;
	s0 =	simm.s32 @!p1 $0x0  }
0x14: {  	s2 =	sld [smem:$0x3F9C];
	s0 =	simm.s32 @p1 $0x1  }
0x15: {  	[smem:$0x3FB9] =	sst s0;
	s0 =	simm.s32 @!p2 $0x0  }
0x16: {  	s3 =	sld [smem:$0x3FDB];
	s0 =	simm.s32 @p2 $0x1  }
0x17: {  	s4 =	simm.s32 $0x1BF5;
	[smem:$0x3FBB] =	sst s0  }
0x18: {  	s0 =	sld [smem:$0x3F9E];
	_ =	swait.ge [sflag:s4], $0x0  }
0x19: {  	s7 =	sld [smem:$0x3F9F]  }
0x1a: {  	s8 =	sadd.s32 $0xFFFFE003, lr  }
0x1b: {  	s9 =	sadd.s32 $0xFFFFFEF7, lr;
	s5 =	simm.s32 $0xFFFFFFFF;
	p2 =	slt.u32 s8, $0xFFFFF086  }
0x1c: {  	p1 =	slt.u32 s9, $0xF7A;
	s5 =	simm.s32 @!p2 $0x0  }
0x1d: {  	s5 =	simm.s32 @p1 $0x1;
	p0 =	seq.s32 s7, s2  }
0x1e: {  	s7 =	smul.u32 @!p0 $0xF7A, s2;
	p2 =	seq.s32 @!p0 s5, $0x0  }
0x1f: {  	s9 =	smul.u32 $0xF7A, s1;
	s8 =	simm.s32 @!p0 $0x1BF5;
	p2 =	por !p2, p0  }
0x20: {  	[sflag:s8] =	ssyncset.s32 @!p0 $0xFFFFF086;
	s6 =	sadd.s32 @!p0 s3, s7;
	s7 =	simm.s32 @!p0 $0x108  }
0x21: {  	s3 =	sadd.s32 s3, s9;
	s6 =	sadd.s32 @!p0 $0x88, s6;
	s7 =	simm.s32 @p2 $0x1082  }
0x22: {  	[simem:s7], [sflag:s8] =	dma.local @!p0 [hbm:s6], $0xF7A  }
0x23: {  	s9 =	sor.u32 $0xD0000000, s2;
	s6 =	simm.s32 $0x108;
	_ =	swait.ge @!p0 [sflag:s8], $0x0  }
0x24: {  	s3 =	sadd.s32 $0x88, s3;
	s6 =	simm.s32 @!p1 $0x1082;
	[sflag:s4] =	ssyncset.s32 $0xFFFFF086  }
0x25: {  	[simem:s6], [sflag:s4] =	dma.local [hbm:s3], $0xF7A  }
0x26: {  	[smem:$0x3F9F] =	sst s1;
	(tag) =	ssettag s2;
	_ =	strace s9  }
0x27: {  	s1 =	sld [smem:$0x3FAF]  }
0x28: {  	s2 =	sld [smem:$0x3FB0]  }
0x29: {  	s4 =	sld [smem:$0x3FB2]  }
0x2a: {  	p0 =	seq.s32 s5, $0x0;
	s5 =	sld [smem:$0x3FB3]  }
0x2b: {  	s6 =	sld [smem:$0x3FB4]  }
0x2c: {  	s7 =	sld [smem:$0x3FB5]  }
0x2d: {  	s3 =	simm.s32 $0x108;
	s8 =	sld [smem:$0x3FB6]  }
0x2e: {  	s3 =	simm.s32 @!p0 $0x1082;
	s9 =	sld [smem:$0x3FB7]  }
0x2f: {  	lr =	sadd.s32 s0, s3;
	s0 =	sld [smem:$0x3FAE]  }
0x30: {  	s3 =	sld [smem:$0x3FB1]  }
0x31: {  	[smem:$0x3FBA] =	sst s10  }
0x32: {  	s10 =	sld [smem:$0x3FB8];
	_ =	sdelay $0x3  }
0x33: {  	p0 =	seq.s32 s10, $0x1;
	s10 =	sld [smem:$0x3FBA];
	_ =	sdelay $0x3  }
0x34: {  	[smem:$0x3FBA] =	sst s10  }
0x35: {  	s10 =	sld [smem:$0x3FB9];
	_ =	sdelay $0x3  }
0x36: {  	p1 =	seq.s32 s10, $0x1;
	s10 =	sld [smem:$0x3FBA];
	_ =	sdelay $0x3  }
0x37: {  	[smem:$0x3FBA] =	sst s10  }
0x38: {  	s10 =	sld [smem:$0x3FBB]  }
0x39: {  	_ = 	snop;
	(pc) =	sbr.ind lr, $3  }
0x3a: {  	_ = 	snop  }
0x3b: {  	_ = 	snop  }
0x3c: {  	p2 =	seq.s32 s10, $0x1;
	s10 =	sld [smem:$0x3FBA]  }
0x3d: {  	_ =	shalt  }
0x3e: {  	_ =	shalt  }
0x3f: {  	_ =	shalt  }
0x40: {  	_ =	shalt  }
0x41: {  	_ =	shalt  }
0x42: {  	_ =	shalt  }
0x43: {  	_ =	shalt  }
0x44: {  	_ =	shalt  }
0x45: {  	_ =	shalt  }
0x46: {  	_ =	shalt  }
0x47: {  	_ =	shalt  }
0x48: {  	_ =	shalt  }
0x49: {  	_ =	shalt  }
0x4a: {  	_ =	shalt  }
0x4b: {  	_ =	shalt  }
0x4c: {  	_ =	shalt  }
0x4d: {  	_ =	shalt  }
0x4e: {  	_ =	shalt  }
0x4f: {  	_ =	shalt  }
0x50: {  	_ =	shalt  }
0x51: {  	_ =	shalt  }
0x52: {  	_ =	shalt  }
0x53: {  	_ =	shalt  }
0x54: {  	_ =	shalt  }
0x55: {  	_ =	shalt  }
0x56: {  	_ =	shalt  }
0x57: {  	_ =	shalt  }
0x58: {  	_ =	shalt  }
0x59: {  	_ =	shalt  }
0x5a: {  	_ =	shalt  }
0x5b: {  	_ =	shalt  }
0x5c: {  	_ =	shalt  }
0x5d: {  	_ =	shalt  }
0x5e: {  	_ =	shalt  }
0x5f: {  	_ =	shalt  }
0x60: {  	_ =	shalt  }
0x61: {  	_ =	shalt  }
0x62: {  	_ =	shalt  }
0x63: {  	_ =	shalt  }
0x64: {  	_ =	shalt  }
0x65: {  	_ =	shalt  }
0x66: {  	_ =	shalt  }
0x67: {  	_ =	shalt  }
0x68: {  	_ =	shalt  }
0x69: {  	_ =	shalt  }
0x6a: {  	_ =	shalt  }
0x6b: {  	_ =	shalt  }
0x6c: {  	_ =	shalt  }
0x6d: {  	_ =	shalt  }
0x6e: {  	_ =	shalt  }
0x6f: {  	_ =	shalt  }
0x70: {  	_ =	shalt  }
0x71: {  	_ =	shalt  }
0x72: {  	_ =	shalt  }
0x73: {  	_ =	shalt  }
0x74: {  	_ =	shalt  }
0x75: {  	_ =	shalt  }
0x76: {  	_ =	shalt  }
0x77: {  	_ =	shalt  }
0x78: {  	_ =	shalt  }
0x79: {  	_ =	shalt  }
0x7a: {  	_ =	shalt  }
0x7b: {  	_ =	shalt  }
0x7c: {  	_ =	shalt  }
0x7d: {  	_ =	shalt  }
0x7e: {  	_ =	shalt  }
0x7f: {  	_ =	shalt  }
0x80: {  	_ =	shalt  }
0x81: {  	_ =	shalt  }
0x82: {  	_ =	shalt  }
0x83: {  	_ =	shalt  }
0x84: {  	_ =	shalt  }
0x85: {  	_ =	shalt  }
0x86: {  	_ =	shalt  }
0x87: {  	_ =	shalt  }
.Lfunc_end0:
.L_simem_size_0:
called_computation_lowered:
.L_overlay_start_0:
0x88: {  	s2 =	sld [smem:$0x3FD9]  }
0x89: {  	s3 =	sld [smem:$0x3FFE];
	_ =	sdelay $0x1  }
0x8a: {  	s1 =	srdreg.scid  }
0x8b: {  	s0 =	sand.u32 $0x1, s1  }
0x8c: {  	s17 =	sshll.u32 s0, $0xA;
	s2 =	sadd.s32 s3, s2  }
0x8d: {  	s2 =	sadd.s32 s2, s17  }
0x8e: {  	[smem:$0x3FC6] =	sst s2  }
0x8f: {  	_ = 	snop  }
0x90: {  	s2 =	sld [smem:$0x3FC9];
	(tm) =	ssettm $0x1  }
0x91: {  	s18 =	sld [smem:$0x3FFB];
	_ =	sdelay $0x3  }
0x92: {  	_ =	strace s18  }
0x93: {  	s3 =	sld [smem:$0x3FFC];
	_ =	sdelay $0x3  }
0x94: {  	_ =	strace s3  }
0x95: {  	s3 =	sld [smem:$0x3FFD];
	_ =	sdelay $0x3  }
0x96: {  	_ =	strace s3  }
0x97: {  	_ =	strace $0x8FFFFFFF  }
0x98: {  	s19 =	sld [smem:$0x3FDB];
	_ =	sdelay $0x1  }
0x99: {  	s4 =	simm.s32 $_scs_section_size  }
0x9a: {  	s5 =	simm.s32 $_size__tile_overlayer_lowered;
	s6 =	simm.s32 $_tile_overlayer_lowered  }
0x9b: {  	s22 =	simm.s32 $0x1BFF;
	s21 =	sshll.u32 s6, $0x1;
	s3 =	sadd.s32 s4, s19  }
0x9c: {  	s7 =	simm.s32 $0x0;
	s20 =	sshll.u32 s5, $0x1;
	s5 =	sadd.s32 s21, s3  }
0x9d: {  	[timem:s7], [sflag:s22] =	dma.local [hbm:s5], s20  }
0x9e: {  	_ =	swait.ge [sflag:s22], s20  }
0x9f: {  	s4 =	ssub.s32 $0x0, s20;
	[sflag:s22] =	ssyncset.done $0x0  }
0xa0: {  	[sflag:s22] =	ssyncadd.s32 s4;
	_ =	sdelay $0x1  }
0xa1: {  	s23 =	simm.s32 $0x1B8B  }
0xa2: {  	_ =	swait.ge [sflag:s23], $0x1  }
0xa3: {  	[sflag:s23] =	ssyncset.done $0x0  }
0xa4: {  	s25 =	simm.s32 $0x1B8E;
	s24 =	sld [smem:$0x3FFE];
	[sflag:s23] =	ssyncadd.s32 $0xFFFFFFFF  }
0xa5: {  	s26 =	simm.s32 $execute0_lowered;
	[smem:$0x3FD2] =	sst s25  }
0xa6: {  	s5 =	sshll.u32 s26, $0x1;
	_ =	strace $0x80000046;
	[dreg:$0x1] =	wrdreg $0xFFFFFFFF  }
0xa7: {  	s28 =	simm.s32 $_size_execute0_lowered;
	s3 =	sadd.s32 s3, s5;
	[dreg:$0x0] =	wrdreg $0x0  }
0xa8: {  	s5 =	sshll.u32 s28, $0x1;
	[dreg:$0x2] =	wrdreg s3  }
0xa9: {  	[dreg:$0x3] =	wrdreg s5  }
0xaa: {  	[dreg:$0x4] =	wrdreg $0xC0  }
0xab: {  	_ =	task [dreg:s7], $0x5FFFF  }
0xac: {  	[dreg:$0x1] =	wrdreg $0xFFFFFFFF  }
0xad: {  	[dreg:$0x0] =	wrdreg $0x60  }
0xae: {  	[dreg:$0x2] =	wrdreg s2  }
0xaf: {  	[dreg:$0x3] =	wrdreg s24  }
0xb0: {  	[dreg:$0x4] =	wrdreg $0x9  }
0xb1: {  	_ =	task.clear_ibuf [dreg:s7], $0x5FFFF;
	_ =	strace $0x90000046  }
0xb2: {  	s29 =	simm.s32 $0x9;
	_ =	strace $0x80000048  }
0xb3: {  	_ =	swait.ge [sflag:s29], $0x1  }
0xb4: {  	[sflag:s29] =	ssyncadd.s32 $0xFFFFFFFF  }
0xb5: {  	_ =	strace $0x90000048  }
0xb6: {  	_ =	sfence  }
0xb7: {  	s30 =	sld [smem:$0x0];
	_ =	sdelay $0x2  }
0xb8: {  	s31 =	sshll.u32 s1, $0xD;
	s1 =	sshrl.u32 s1, $0x2  }
0xb9: {  	s3 =	sand.u32 $0x4000, s31;
	s1 =	sadd.s32 s1, s30  }
0xba: {  	s0 =	sor.u32 s3, s0;
	s1 =	sshll.u32 s1, $0x11  }
0xbb: {  	s0 =	sor.u32 s1, s0  }
0xbc: {  	s0 =	sadd.s32 $0x8F2B, s0  }
0xbd: {  	[sflag:s0] =	ssyncadd.remote.s32 $0x1  }
0xbe: {  	_ =	sfence.sel $0xFFFF  }
0xbf: {  	[dreg:$0x0] =	wrdreg $0xFFFFFFFF;
	(pc) =	sbr.abs _section_cstart, $3  }
0xc0: {  	[dreg:$0x1] =	wrdreg $0xFFFFFFFF  }
0xc1: {  	_ =	task.clear_ibuf [dreg:s7], $0x2FFFF;
	_ =	strace $0x9FFFFFFF  }
0xc2: {  	(tm) =	ssettm $0x7FFFFFFF  }
0xc3: {  	_ =	shalt  }
tec
execute0_lowered:
.L_overlay_start_1:
0x0: {  	(tag) =	ssettag $0x1  }
0x1: {  	s1 =	srdreg.scid;
	s2 =	rddreg [dreg:$0x0]  }
0x2: {  	s0 =	stileid.u32;
	s4 =	rddreg [dreg:$0x1];
	s6 =	sand.u32 $0x1, s1  }
0x3: {  	s3 =	simm.s32 $0x0;
	s5 =	sshll.u32 s0, $0x7;
	s7 =	sshll.u32 s6, $0x6  }
0x4: {  	[smem:$0x7FF] =	sst s3;
	s5 =	sor.u32 s7, s5  }
0x5: {  	s1 =	rddreg [dreg:$0x2];
	_ =	strace $0x80000047;
	s8 =	sadd.s32 s5, s4  }
0x6: {  	s9 =	ssub.s32 $0x2, s6;
	s4 =	simm.s32 $0x2;
	s5 =	sadd.s32 $0x600, s8  }
0x7: {  	[tilespmem:s3], [sflag:$0x2] =	stream.linear.gather [hbm4b:s5+s3], $0x200, $0x38;
	[tilespmem:$0x400] =	vst v63  }
0x8: {  	s10 =	sshrl.u32 s9, $0x1;
	_ =	swait.ge [sflag:s4], $0x200  }
0x9: {  	s6 =	simm.s32 $0x200;
	s9 =	ssub.s32 s9, s10;
	[sflag:s4] =	ssyncset.done $0x0  }
0xa: {  	s7 =	simm.s32 $0x1;
	s9 =	smax.u32 s9, $0x1;
	[sflag:s4] =	ssyncadd.s32 $0xFFFFFE00  }
0xb: {  	[tilespmem:s6], [sflag:$0x1] =	stream.indirect.gather [hbm4b:s2+s6], $0x1, s3, s6, $0xb8;
	[tilespmem:$0x400] =	vst v63  }
0xc: {  	p0 =	sne.s32 s9, $0x1;
	_ =	swait.ge [sflag:s7], $0x200  }
.Ltmp0:
0xd: {  	[sflag:s7] =	ssyncset.done $0x0;
	(pc) =	sbr.rel @!p0 .LBB2_2-.Ltmp0, $4  }
0xe: {  	s8 =	sadd.s32 $0xE00, s8;
	[sflag:s7] =	ssyncadd.s32 $0xFFFFFE00  }
0xf: {  	[hbm4b:s8+s3] =	stream.linear.scatter [tilespmem:s6], [sflag:$0x2], $0x200, $0x38;
	[tilespmem:$0x400] =	vst v63  }
0x10: {  	_ =	swait.ge [sflag:s4], $0x200  }
0x11: {  	s9 =	sadd.s32 $0xFFFFFFFF, s9;
	[sflag:s4] =	ssyncset.done $0x0  }
.LBB2_1:
0x12: {  	p0 =	sne.s32 s9, $0x1;
	s9 =	sadd.s32 $0xFFFFFFFF, s9;
	[sflag:s4] =	ssyncadd.s32 $0xFFFFFE00  }
0x13: {  	[tilespmem:s3], [sflag:$0x2] =	stream.linear.gather [hbm4b:s5+s3], $0x200, $0x38;
	[tilespmem:$0x400] =	vst v63  }
0x14: {  	_ =	swait.ge [sflag:s4], $0x200  }
0x15: {  	[sflag:s4] =	ssyncset.done $0x0  }
0x16: {  	[sflag:s4] =	ssyncadd.s32 $0xFFFFFE00  }
0x17: {  	[tilespmem:s6], [sflag:$0x1] =	stream.indirect.gather [hbm4b:s2+s6], $0x1, s3, s6, $0xb8;
	[tilespmem:$0x400] =	vst v63  }
0x18: {  	_ =	swait.ge [sflag:s7], $0x200  }
.Ltmp1:
0x19: {  	[sflag:s7] =	ssyncset.done $0x0;
	(pc) =	sbr.rel @p0 .LBB2_1-.Ltmp1, $4  }
0x1a: {  	[sflag:s7] =	ssyncadd.s32 $0xFFFFFE00  }
0x1b: {  	[hbm4b:s8+s3] =	stream.linear.scatter [tilespmem:s6], [sflag:$0x2], $0x200, $0x38;
	[tilespmem:$0x400] =	vst v63  }
0x1c: {  	_ =	swait.ge [sflag:s4], $0x200  }
0x1d: {  	[sflag:s4] =	ssyncset.done $0x0  }
.LBB2_2:
0x1e: {  	[sflag:s4] =	ssyncadd.s32 $0xFFFFFE00  }
0x1f: {  	_ =	sfence.sel $0x180000  }
0x20: {  	[bflag:$0x0] =	sbarrier.arrive $0xFFFF  }
0x21: {  	p0 =	sne.s32 s0, $0x0;
	_ =	strace $0x90000047  }
0x22: {  	s0 =	sadd.s32 @!p0 $0x100000, s1;
	[bflag:$0x2] =	sbarrier.arrive $0xFFFF  }
0x23: {  	[sflag:s0] =	ssyncadd.tile.s32 @!p0 $0x1;
	_ =	shalt  }
.Lfunc_end2:
_tile_overlayer_lowered:
.L_overlay_start_2:
0x24: {  	(tag) =	ssettag $0x2  }
0x25: {  	s0 =	rddreg [dreg:$0x0];
	s2 =	stileid.u32  }
0x26: {  	s1 =	rddreg [dreg:$0x1];
	p0 =	sne.s32 s2, $0x0  }
0x27: {  	s3 =	rddreg [dreg:$0x2];
	[bflag:$0x3] =	sbarrier.arrive $0xFFFF;
	s2 =	simm.s32 @!p0 $0x1C02  }
0x28: {  	[timem:s3], [sflag:s2] =	dma.local @!p0 [hbm:s0], s1  }
0x29: {  	s0 =	simm.s32 @!p0 $0x2  }
0x2a: {  	_ =	swait.ge @!p0 [sflag:s0], s1  }
0x2b: {  	s1 =	ssub.s32 @!p0 $0x0, s1;
	[sflag:s0] =	ssyncset.done @!p0 $0x0  }
0x2c: {  	[sflag:s0] =	ssyncadd.s32 @!p0 s1  }
0x2d: {  	[bflag:$0x3] =	sbarrier.arrive $0xFFFF  }
0x2e: {  	_ =	shalt  }

</sc_bundles>
